<compile_context>
chip_gen: v7x
topology: tpu7x:2x2x1
jax: 0.10.2.dev20260603
libtpu: 0.0.44.dev20260713+nightly
codegen_flags: <defaults>
</compile_context>

<pallas_src>
import jax
import jax.numpy as jnp
from jax import lax
from jax.experimental import pallas as pl
from jax.experimental.pallas import tpu as pltpu
from jax.experimental.pallas import tpu_sc as plsc

L = 16
N_EXP = 1024
N_STR = 4096
ROWS = 16
COLS = 256


def _probe_count(grid_v, base, st, x_vec, iota, n=None):
    probe = base + iota * st
    if n is None:
        vals = plsc.load_gather(grid_v, [probe])
        le = vals <= x_vec
    else:
        vals = plsc.load_gather(grid_v, [jnp.minimum(probe, n - 1)])
        le = jnp.logical_and(vals <= x_vec, probe < n)
    return plsc.all_reduce_population_count(le)


def _body(vols_hbm, strikes_hbm, expiries_hbm, strike_hbm, expiry_hbm,
          out_hbm, strikes_v, expiries_v, strike_v, expiry_v, win_v, out_v,
          sem_e, sem_s, sem_w):
    c = lax.axis_index("c")
    s = lax.axis_index("s")

    @pl.when(jnp.logical_and(c == 0, s == 0))
    def _():
        cp_e = pltpu.async_copy(expiries_hbm, expiries_v, sem_e)
        cp_t = pltpu.async_copy(expiry_hbm, expiry_v, sem_e)
        cp_s = pltpu.async_copy(strikes_hbm, strikes_v, sem_s)
        cp_k = pltpu.async_copy(strike_hbm, strike_v, sem_s)

        iota = lax.iota(jnp.int32, L)
        zeros = iota * 0

        cp_e.wait()
        cp_t.wait()
        t = plsc.load_gather(expiry_v, [zeros])
        c1 = _probe_count(expiries_v, zeros, 64, t, iota)
        b1 = jnp.maximum(c1 - 1, 0) * 64
        c2 = _probe_count(expiries_v, b1, 4, t, iota)
        b2 = b1 + jnp.maximum(c2 - 1, 0) * 4
        c3 = _probe_count(expiries_v, b2, 1, t, iota, n=N_EXP)
        n_e = b2 + c3
        jhi = jnp.clip(n_e, 1, N_EXP - 1)
        jlo = jhi - 1
        e_lo = plsc.load_gather(expiries_v, [jlo])
        e_hi = plsc.load_gather(expiries_v, [jhi])
        u = jnp.clip((t - e_lo) / (e_hi - e_lo), 0.0, 1.0)

        cp_s.wait()
        cp_k.wait()
        k = plsc.load_gather(strike_v, [zeros])
        d1 = _probe_count(strikes_v, zeros, 256, k, iota)
        a1 = jnp.maximum(d1 - 1, 0) * 256
        d2 = _probe_count(strikes_v, a1, 16, k, iota)
        a2 = a1 + jnp.maximum(d2 - 1, 0) * 16
        rbase = (jlo >> 3) << 3
        cbase = jnp.minimum((jnp.maximum(a2 - 1, 0) >> 7) << 7, N_STR - COLS)
        rbase_s = pl.multiple_of(jnp.max(rbase), 8)
        cbase_s = pl.multiple_of(jnp.max(cbase), 128)
        cp_w = pltpu.async_copy(
            vols_hbm.at[pl.ds(rbase_s, ROWS), pl.ds(cbase_s, COLS)],
            win_v, sem_w)

        d3 = _probe_count(strikes_v, a2, 1, k, iota)
        idx = jnp.clip(a2 + d3 - 1, 0, N_STR - 2)
        k_lo = plsc.load_gather(strikes_v, [idx])
        k_hi = plsc.load_gather(strikes_v, [idx + 1])
        w = jnp.clip((k - k_lo) / (k_hi - k_lo), 0.0, 1.0)

        r0 = jlo - rbase
        c0 = idx - cbase
        cp_w.wait()
        v00 = plsc.load_gather(win_v, [r0, c0])
        v01 = plsc.load_gather(win_v, [r0, c0 + 1])
        v10 = plsc.load_gather(win_v, [r0 + 1, c0])
        v11 = plsc.load_gather(win_v, [r0 + 1, c0 + 1])
        a_lo = v00 + w * (v01 - v00)
        a_hi = v10 + w * (v11 - v10)
        out_v[...] = a_lo + u * (a_hi - a_lo)
        pltpu.sync_copy(out_v.at[pl.ds(0, 1)], out_hbm)


def kernel(vols, strikes, expiries, strike, expiry):
    strike_v = jnp.asarray(strike, jnp.float32).reshape(1)
    expiry_v = jnp.asarray(expiry, jnp.float32).reshape(1)
    mesh = plsc.VectorSubcoreMesh(core_axis_name="c", subcore_axis_name="s",
                                  num_cores=1, num_subcores=1)
    run = pl.kernel(
        _body,
        out_type=jax.ShapeDtypeStruct((1,), jnp.float32),
        mesh=mesh,
        compiler_params=pltpu.CompilerParams(needs_layout_passes=False),
        scratch_types=[
            pltpu.VMEM((N_STR,), jnp.float32),
            pltpu.VMEM((N_EXP,), jnp.float32),
            pltpu.VMEM((1,), jnp.float32),
            pltpu.VMEM((1,), jnp.float32),
            pltpu.VMEM((ROWS, COLS), jnp.float32),
            pltpu.VMEM((L,), jnp.float32),
            pltpu.SemaphoreType.DMA,
            pltpu.SemaphoreType.DMA,
            pltpu.SemaphoreType.DMA,
        ],
    )
    out = run(vols, strikes, expiries, strike_v, expiry_v)
    return out.reshape(())

# --- scband reference (transcript-rebuilt; emitter-appended) ---
"""Pipeline reference for scband-grid-vol-surface-39616778338816 (READ-ONLY COPY).

The authoritative reference and input builder live on the scoring server;
editing this copy changes nothing except your own understanding.
"""

import jax, jax.numpy as jnp
import numpy as np

N_EXPIRIES = 1024
N_STRIKES = 4096


def setup_inputs(seed: int = 0) -> dict:
    key = jax.random.key(seed)
    k1, k2, k3 = jax.random.split(key, 3)
    # Sorted, strictly increasing strike grid (arange-based, scaled to a realistic range)
    strikes = jnp.arange(N_STRIKES, dtype=jnp.float32) * 0.5 + 50.0
    # Sorted, strictly increasing expiry grid in year fractions
    expiries = (jnp.arange(N_EXPIRIES, dtype=jnp.float32) + 1.0) / 252.0
    # Implied vol matrix, realistic 10%-50% vols
    vols = jax.random.uniform(k1, (N_EXPIRIES, N_STRIKES), dtype=jnp.float32) * 0.4 + 0.1
    strike = jnp.float32(jax.random.uniform(k2, (), minval=strikes[0], maxval=strikes[-1]))
    expiry = jnp.float32(jax.random.uniform(k3, (), minval=expiries[0], maxval=expiries[-1]))
    return {"vols": vols, "strikes": strikes, "expiries": expiries, "strike": strike, "expiry": expiry}


def _interp_each_row(vols, strikes, strike):
    k = jnp.clip(strike, strikes[0], strikes[-1])
    idx = jnp.searchsorted(strikes, k, side='right') - 1
    idx = jnp.clip(idx, 0, strikes.shape[0] - 2)
    k_lo = strikes[idx]
    k_hi = strikes[idx + 1]
    w = (k - k_lo) / (k_hi - k_lo)
    w = jnp.clip(w, 0.0, 1.0)
    vol_lo = vols[:, idx]
    vol_hi = vols[:, idx + 1]
    return vol_lo + w * (vol_hi - vol_lo)


def reference(vols, strikes, expiries, strike, expiry):
    # Faithful translation of GridVolSurface.__call__: bilinear interpolation
    # in (strike, expiry) with flat extrapolation beyond grid boundaries.
    vol_at_strike = _interp_each_row(vols, strikes, strike)
    return jnp.interp(expiry, expiries, vol_at_strike)

if __name__ == "__main__":
    import jax
    _d = setup_inputs()
    print(jax.jit(kernel)(*tuple(_d.values())))

</pallas_src>

<mosaic_0001>
#map = affine_map<(d0, d1) -> (0, 0)>
#map1 = affine_map<(d0, d1) -> (0)>
module attributes {stable_mosaic.version = 14 : i64} {
  func.func @_body(%arg0: i32, %arg1: i32, %arg2: memref<1024x4096xf32, #tpu.memory_space<hbm>>, %arg3: memref<4096xf32, #tpu.memory_space<hbm>>, %arg4: memref<1024xf32, #tpu.memory_space<hbm>>, %arg5: memref<1xf32, #tpu.memory_space<hbm>>, %arg6: memref<1xf32, #tpu.memory_space<hbm>>, %arg7: memref<1xf32, #tpu.memory_space<hbm>>, %arg8: memref<4096xf32, #tpu.memory_space<vmem>>, %arg9: memref<1024xf32, #tpu.memory_space<vmem>>, %arg10: memref<1xf32, #tpu.memory_space<vmem>>, %arg11: memref<1xf32, #tpu.memory_space<vmem>>, %arg12: memref<16x256xf32, #tpu.memory_space<vmem>>, %arg13: memref<16xf32, #tpu.memory_space<vmem>>, %arg14: memref<!tpu.dma_semaphore, #tpu.memory_space<semaphore_mem>>, %arg15: memref<!tpu.dma_semaphore, #tpu.memory_space<semaphore_mem>>, %arg16: memref<!tpu.dma_semaphore, #tpu.memory_space<semaphore_mem>>) attributes {dimension_semantics = [#tpu.dimension_semantics<core_parallel>, #tpu.dimension_semantics<subcore_parallel>], iteration_bounds = array<i64: 1, 1>, scalar_prefetch = 0 : i64, scratch_operands = 9 : i64, tpu.core_type = #tpu.core_type<sc_vector_subcore>, window_params = [{transform_indices = #map}, {transform_indices = #map1}, {transform_indices = #map1}, {transform_indices = #map1}, {transform_indices = #map1}, {transform_indices = #map1}]} {
    %eq3A = arith.constant 0 : i32
    %eq3A_0 = arith.cmpi eq, %arg0, %eq3A : i32
    %eq3A_1 = arith.constant 0 : i32
    %eq3A_2 = arith.cmpi eq, %arg1, %eq3A_1 : i32
    %and3A = arith.andi %eq3A_0, %eq3A_2 : i1
    %convert_element_type3A = arith.extui %and3A : i1 to i32
    %cond3A = arith.constant 0 : i32
    %cond3A_3 = arith.cmpi ne, %convert_element_type3A, %cond3A : i32
    scf.if %cond3A_3 {
      tpu.enqueue_dma source(%arg4 : memref<1024xf32, #tpu.memory_space<hbm>>) target(%arg9 : memref<1024xf32, #tpu.memory_space<vmem>>) target_semaphore(%arg14 : memref<!tpu.dma_semaphore, #tpu.memory_space<semaphore_mem>>)
      tpu.enqueue_dma source(%arg6 : memref<1xf32, #tpu.memory_space<hbm>>) target(%arg11 : memref<1xf32, #tpu.memory_space<vmem>>) target_semaphore(%arg14 : memref<!tpu.dma_semaphore, #tpu.memory_space<semaphore_mem>>)
      tpu.enqueue_dma source(%arg3 : memref<4096xf32, #tpu.memory_space<hbm>>) target(%arg8 : memref<4096xf32, #tpu.memory_space<vmem>>) target_semaphore(%arg15 : memref<!tpu.dma_semaphore, #tpu.memory_space<semaphore_mem>>)
      tpu.enqueue_dma source(%arg5 : memref<1xf32, #tpu.memory_space<hbm>>) target(%arg10 : memref<1xf32, #tpu.memory_space<vmem>>) target_semaphore(%arg15 : memref<!tpu.dma_semaphore, #tpu.memory_space<semaphore_mem>>)
      %iota3A = tpu.iota {dimensions = array<i32: 0>} : vector<16xi32>
      %mul3A = arith.constant 0 : i32
      %mul3A_4 = vector.broadcast %mul3A : i32 to vector<16xi32>
      %mul3A_5 = arith.muli %iota3A, %mul3A_4 : vector<16xi32>
      tpu.wait_dma2 semaphore(%arg14 : memref<!tpu.dma_semaphore, #tpu.memory_space<semaphore_mem>>) src(%arg4 : memref<1024xf32, #tpu.memory_space<hbm>>) dst(%arg9 : memref<1024xf32, #tpu.memory_space<vmem>>)
      tpu.wait_dma2 semaphore(%arg14 : memref<!tpu.dma_semaphore, #tpu.memory_space<semaphore_mem>>) src(%arg6 : memref<1xf32, #tpu.memory_space<hbm>>) dst(%arg11 : memref<1xf32, #tpu.memory_space<vmem>>)
      %gather3A = tpu.vector_load_idx %arg11[%mul3A_5] : memref<1xf32, #tpu.memory_space<vmem>>[vector<16xi32>], vector<16xf32>,
      %mul3A_6 = arith.constant 64 : i32
      %mul3A_7 = vector.broadcast %mul3A_6 : i32 to vector<16xi32>
      %mul3A_8 = arith.muli %iota3A, %mul3A_7 : vector<16xi32>
      %add3A = arith.addi %mul3A_5, %mul3A_8 : vector<16xi32>
      %gather3A_9 = tpu.vector_load_idx %arg9[%add3A] : memref<1024xf32, #tpu.memory_space<vmem>>[vector<16xi32>], vector<16xf32>,
      %le3A = arith.cmpf ole, %gather3A_9, %gather3A : vector<16xf32>
      %all_reduce_population_count3A = tpu.all_reduce %le3A {dim = 0 : i64, kind = #tpu.reduction_kind<sum>} : vector<16xi1> -> vector<16xi32>
      %sub3A = arith.constant 1 : i32
      %sub3A_10 = vector.broadcast %sub3A : i32 to vector<16xi32>
      %sub3A_11 = arith.subi %all_reduce_population_count3A, %sub3A_10 : vector<16xi32>
      %max3A = arith.constant 0 : i32
      %max3A_12 = vector.broadcast %max3A : i32 to vector<16xi32>
      %max3A_13 = arith.maxsi %sub3A_11, %max3A_12 : vector<16xi32>
      %mul3A_14 = arith.constant 64 : i32
      %mul3A_15 = vector.broadcast %mul3A_14 : i32 to vector<16xi32>
      %mul3A_16 = arith.muli %max3A_13, %mul3A_15 : vector<16xi32>
      %mul3A_17 = arith.constant 4 : i32
      %mul3A_18 = vector.broadcast %mul3A_17 : i32 to vector<16xi32>
      %mul3A_19 = arith.muli %iota3A, %mul3A_18 : vector<16xi32>
      %add3A_20 = arith.addi %mul3A_16, %mul3A_19 : vector<16xi32>
      %gather3A_21 = tpu.vector_load_idx %arg9[%add3A_20] : memref<1024xf32, #tpu.memory_space<vmem>>[vector<16xi32>], vector<16xf32>,
      %le3A_22 = arith.cmpf ole, %gather3A_21, %gather3A : vector<16xf32>
      %all_reduce_population_count3A_23 = tpu.all_reduce %le3A_22 {dim = 0 : i64, kind = #tpu.reduction_kind<sum>} : vector<16xi1> -> vector<16xi32>
      %sub3A_24 = arith.constant 1 : i32
      %sub3A_25 = vector.broadcast %sub3A_24 : i32 to vector<16xi32>
      %sub3A_26 = arith.subi %all_reduce_population_count3A_23, %sub3A_25 : vector<16xi32>
      %max3A_27 = arith.constant 0 : i32
      %max3A_28 = vector.broadcast %max3A_27 : i32 to vector<16xi32>
      %max3A_29 = arith.maxsi %sub3A_26, %max3A_28 : vector<16xi32>
      %mul3A_30 = arith.constant 4 : i32
      %mul3A_31 = vector.broadcast %mul3A_30 : i32 to vector<16xi32>
      %mul3A_32 = arith.muli %max3A_29, %mul3A_31 : vector<16xi32>
      %add3A_33 = arith.addi %mul3A_16, %mul3A_32 : vector<16xi32>
      %mul3A_34 = arith.constant 1 : i32
      %mul3A_35 = vector.broadcast %mul3A_34 : i32 to vector<16xi32>
      %mul3A_36 = arith.muli %iota3A, %mul3A_35 : vector<16xi32>
      %add3A_37 = arith.addi %add3A_33, %mul3A_36 : vector<16xi32>
      %min3A = arith.constant 1023 : i32
      %min3A_38 = vector.broadcast %min3A : i32 to vector<16xi32>
      %min3A_39 = arith.minsi %add3A_37, %min3A_38 : vector<16xi32>
      %gather3A_40 = tpu.vector_load_idx %arg9[%min3A_39] : memref<1024xf32, #tpu.memory_space<vmem>>[vector<16xi32>], vector<16xf32>,
      %le3A_41 = arith.cmpf ole, %gather3A_40, %gather3A : vector<16xf32>
      %lt3A = arith.constant 1024 : i32
      %lt3A_42 = vector.broadcast %lt3A : i32 to vector<16xi32>
      %lt3A_43 = arith.cmpi slt, %add3A_37, %lt3A_42 : vector<16xi32>
      %and3A_44 = arith.andi %le3A_41, %lt3A_43 : vector<16xi1>
      %all_reduce_population_count3A_45 = tpu.all_reduce %and3A_44 {dim = 0 : i64, kind = #tpu.reduction_kind<sum>} : vector<16xi1> -> vector<16xi32>
      %add3A_46 = arith.addi %add3A_33, %all_reduce_population_count3A_45 : vector<16xi32>
      %jit3A = arith.constant 1 : i32
      %jit3A_47 = arith.constant 1023 : i32
      %max3A_48 = vector.broadcast %jit3A : i32 to vector<16xi32>
      %max3A_49 = arith.maxsi %max3A_48, %add3A_46 : vector<16xi32>
      %min3A_50 = vector.broadcast %jit3A_47 : i32 to vector<16xi32>
      %min3A_51 = arith.minsi %min3A_50, %max3A_49 : vector<16xi32>
      %sub3A_52 = arith.constant 1 : i32
      %sub3A_53 = vector.broadcast %sub3A_52 : i32 to vector<16xi32>
      %sub3A_54 = arith.subi %min3A_51, %sub3A_53 : vector<16xi32>
      %gather3A_55 = tpu.vector_load_idx %arg9[%sub3A_54] : memref<1024xf32, #tpu.memory_space<vmem>>[vector<16xi32>], vector<16xf32>,
      %gather3A_56 = tpu.vector_load_idx %arg9[%min3A_51] : memref<1024xf32, #tpu.memory_space<vmem>>[vector<16xi32>], vector<16xf32>,
      %sub3A_57 = arith.subf %gather3A, %gather3A_55 : vector<16xf32>
      %sub3A_58 = arith.subf %gather3A_56, %gather3A_55 : vector<16xf32>
      %div3A = arith.divf %sub3A_57, %sub3A_58 : vector<16xf32>
      %jit3A_59 = arith.constant 0.000000e+00 : f32
      %jit3A_60 = arith.constant 1.000000e+00 : f32
      %max3A_61 = vector.broadcast %jit3A_59 : f32 to vector<16xf32>
      %max3A_62 = arith.maximumf %max3A_61, %div3A : vector<16xf32>
      %min3A_63 = vector.broadcast %jit3A_60 : f32 to vector<16xf32>
      %min3A_64 = arith.minimumf %min3A_63, %max3A_62 : vector<16xf32>
      tpu.wait_dma2 semaphore(%arg15 : memref<!tpu.dma_semaphore, #tpu.memory_space<semaphore_mem>>) src(%arg3 : memref<4096xf32, #tpu.memory_space<hbm>>) dst(%arg8 : memref<4096xf32, #tpu.memory_space<vmem>>)
      tpu.wait_dma2 semaphore(%arg15 : memref<!tpu.dma_semaphore, #tpu.memory_space<semaphore_mem>>) src(%arg5 : memref<1xf32, #tpu.memory_space<hbm>>) dst(%arg10 : memref<1xf32, #tpu.memory_space<vmem>>)
      %gather3A_65 = tpu.vector_load_idx %arg10[%mul3A_5] : memref<1xf32, #tpu.memory_space<vmem>>[vector<16xi32>], vector<16xf32>,
      %mul3A_66 = arith.constant 256 : i32
      %mul3A_67 = vector.broadcast %mul3A_66 : i32 to vector<16xi32>
      %mul3A_68 = arith.muli %iota3A, %mul3A_67 : vector<16xi32>
      %add3A_69 = arith.addi %mul3A_5, %mul3A_68 : vector<16xi32>
      %gather3A_70 = tpu.vector_load_idx %arg8[%add3A_69] : memref<4096xf32, #tpu.memory_space<vmem>>[vector<16xi32>], vector<16xf32>,
      %le3A_71 = arith.cmpf ole, %gather3A_70, %gather3A_65 : vector<16xf32>
      %all_reduce_population_count3A_72 = tpu.all_reduce %le3A_71 {dim = 0 : i64, kind = #tpu.reduction_kind<sum>} : vector<16xi1> -> vector<16xi32>
      %sub3A_73 = arith.constant 1 : i32
      %sub3A_74 = vector.broadcast %sub3A_73 : i32 to vector<16xi32>
      %sub3A_75 = arith.subi %all_reduce_population_count3A_72, %sub3A_74 : vector<16xi32>
      %max3A_76 = arith.constant 0 : i32
      %max3A_77 = vector.broadcast %max3A_76 : i32 to vector<16xi32>
      %max3A_78 = arith.maxsi %sub3A_75, %max3A_77 : vector<16xi32>
      %mul3A_79 = arith.constant 256 : i32
      %mul3A_80 = vector.broadcast %mul3A_79 : i32 to vector<16xi32>
      %mul3A_81 = arith.muli %max3A_78, %mul3A_80 : vector<16xi32>
      %mul3A_82 = arith.constant 16 : i32
      %mul3A_83 = vector.broadcast %mul3A_82 : i32 to vector<16xi32>
      %mul3A_84 = arith.muli %iota3A, %mul3A_83 : vector<16xi32>
      %add3A_85 = arith.addi %mul3A_81, %mul3A_84 : vector<16xi32>
      %gather3A_86 = tpu.vector_load_idx %arg8[%add3A_85] : memref<4096xf32, #tpu.memory_space<vmem>>[vector<16xi32>], vector<16xf32>,
      %le3A_87 = arith.cmpf ole, %gather3A_86, %gather3A_65 : vector<16xf32>
      %all_reduce_population_count3A_88 = tpu.all_reduce %le3A_87 {dim = 0 : i64, kind = #tpu.reduction_kind<sum>} : vector<16xi1> -> vector<16xi32>
      %sub3A_89 = arith.constant 1 : i32
      %sub3A_90 = vector.broadcast %sub3A_89 : i32 to vector<16xi32>
      %sub3A_91 = arith.subi %all_reduce_population_count3A_88, %sub3A_90 : vector<16xi32>
      %max3A_92 = arith.constant 0 : i32
      %max3A_93 = vector.broadcast %max3A_92 : i32 to vector<16xi32>
      %max3A_94 = arith.maxsi %sub3A_91, %max3A_93 : vector<16xi32>
      %mul3A_95 = arith.constant 16 : i32
      %mul3A_96 = vector.broadcast %mul3A_95 : i32 to vector<16xi32>
      %mul3A_97 = arith.muli %max3A_94, %mul3A_96 : vector<16xi32>
      %add3A_98 = arith.addi %mul3A_81, %mul3A_97 : vector<16xi32>
      %shift_right_arithmetic3A = arith.constant 3 : i32
      %shift_right_arithmetic3A_99 = vector.broadcast %shift_right_arithmetic3A : i32 to vector<16xi32>
      %shift_right_arithmetic3A_100 = arith.shrsi %sub3A_54, %shift_right_arithmetic3A_99 : vector<16xi32>
      %shift_left3A = arith.constant 3 : i32
      %shift_left3A_101 = vector.broadcast %shift_left3A : i32 to vector<16xi32>
      %shift_left3A_102 = arith.shli %shift_right_arithmetic3A_100, %shift_left3A_101 : vector<16xi32>
      %sub3A_103 = arith.constant 1 : i32
      %sub3A_104 = vector.broadcast %sub3A_103 : i32 to vector<16xi32>
      %sub3A_105 = arith.subi %add3A_98, %sub3A_104 : vector<16xi32>
      %max3A_106 = arith.constant 0 : i32
      %max3A_107 = vector.broadcast %max3A_106 : i32 to vector<16xi32>
      %max3A_108 = arith.maxsi %sub3A_105, %max3A_107 : vector<16xi32>
      %shift_right_arithmetic3A_109 = arith.constant 7 : i32
      %shift_right_arithmetic3A_110 = vector.broadcast %shift_right_arithmetic3A_109 : i32 to vector<16xi32>
      %shift_right_arithmetic3A_111 = arith.shrsi %max3A_108, %shift_right_arithmetic3A_110 : vector<16xi32>
      %shift_left3A_112 = arith.constant 7 : i32
      %shift_left3A_113 = vector.broadcast %shift_left3A_112 : i32 to vector<16xi32>
      %shift_left3A_114 = arith.shli %shift_right_arithmetic3A_111, %shift_left3A_113 : vector<16xi32>
      %min3A_115 = arith.constant 3840 : i32
      %min3A_116 = vector.broadcast %min3A_115 : i32 to vector<16xi32>
      %min3A_117 = arith.minsi %shift_left3A_114, %min3A_116 : vector<16xi32>
      %reduce_max3A = arith.constant true
      %reduce_max3A_118 = vector.broadcast %reduce_max3A : i1 to vector<16xi1>
      %reduce_max3A_119 = arith.constant -2147483648 : i32
      %reduce_max3A_120 = vector.broadcast %reduce_max3A_119 : i32 to vector<16xi32>
      %reduce_max3A_121 = arith.xori %shift_left3A_102, %reduce_max3A_120 : vector<16xi32>
      %reduce_max3A_122 = tpu.scan <max>, %reduce_max3A_121 masked %reduce_max3A_118 : vector<16xi32>, vector<16xi1> -> vector<16xi32>
      %reduce_max3A_123 = arith.xori %reduce_max3A_122, %reduce_max3A_120 : vector<16xi32>
      %reduce_max3A_124 = vector.extract %reduce_max3A_123[15] : i32 from vector<16xi32>
      %multiple_of3A = tpu.assume_multiple %reduce_max3A_124, 8 : i32
      %reduce_max3A_125 = arith.constant true
      %reduce_max3A_126 = vector.broadcast %reduce_max3A_125 : i1 to vector<16xi1>
      %reduce_max3A_127 = arith.constant -2147483648 : i32
      %reduce_max3A_128 = vector.broadcast %reduce_max3A_127 : i32 to vector<16xi32>
      %reduce_max3A_129 = arith.xori %min3A_117, %reduce_max3A_128 : vector<16xi32>
      %reduce_max3A_130 = tpu.scan <max>, %reduce_max3A_129 masked %reduce_max3A_126 : vector<16xi32>, vector<16xi1> -> vector<16xi32>
      %reduce_max3A_131 = arith.xori %reduce_max3A_130, %reduce_max3A_128 : vector<16xi32>
      %reduce_max3A_132 = vector.extract %reduce_max3A_131[15] : i32 from vector<16xi32>
      %multiple_of3A_133 = tpu.assume_multiple %reduce_max3A_132, 128 : i32
      %dma_start3A = tpu.memref_slice %arg2[%multiple_of3A, %multiple_of3A_133] : memref<1024x4096xf32, #tpu.memory_space<hbm>> -> memref<16x256xf32, #tpu.memory_space<hbm>>
      %dma_start3A_134 = tpu.memref_slice %arg2[%multiple_of3A, %multiple_of3A_133] : memref<1024x4096xf32, #tpu.memory_space<hbm>> -> memref<16x256xf32, #tpu.memory_space<hbm>>
      tpu.enqueue_dma source(%dma_start3A_134 : memref<16x256xf32, #tpu.memory_space<hbm>>) target(%arg12 : memref<16x256xf32, #tpu.memory_space<vmem>>) target_semaphore(%arg16 : memref<!tpu.dma_semaphore, #tpu.memory_space<semaphore_mem>>)
      %mul3A_135 = arith.constant 1 : i32
      %mul3A_136 = vector.broadcast %mul3A_135 : i32 to vector<16xi32>
      %mul3A_137 = arith.muli %iota3A, %mul3A_136 : vector<16xi32>
      %add3A_138 = arith.addi %add3A_98, %mul3A_137 : vector<16xi32>
      %gather3A_139 = tpu.vector_load_idx %arg8[%add3A_138] : memref<4096xf32, #tpu.memory_space<vmem>>[vector<16xi32>], vector<16xf32>,
      %le3A_140 = arith.cmpf ole, %gather3A_139, %gather3A_65 : vector<16xf32>
      %all_reduce_population_count3A_141 = tpu.all_reduce %le3A_140 {dim = 0 : i64, kind = #tpu.reduction_kind<sum>} : vector<16xi1> -> vector<16xi32>
      %add3A_142 = arith.addi %add3A_98, %all_reduce_population_count3A_141 : vector<16xi32>
      %sub3A_143 = arith.constant 1 : i32
      %sub3A_144 = vector.broadcast %sub3A_143 : i32 to vector<16xi32>
      %sub3A_145 = arith.subi %add3A_142, %sub3A_144 : vector<16xi32>
      %jit3A_146 = arith.constant 0 : i32
      %jit3A_147 = arith.constant 4094 : i32
      %max3A_148 = vector.broadcast %jit3A_146 : i32 to vector<16xi32>
      %max3A_149 = arith.maxsi %max3A_148, %sub3A_145 : vector<16xi32>
      %min3A_150 = vector.broadcast %jit3A_147 : i32 to vector<16xi32>
      %min3A_151 = arith.minsi %min3A_150, %max3A_149 : vector<16xi32>
      %gather3A_152 = tpu.vector_load_idx %arg8[%min3A_151] : memref<4096xf32, #tpu.memory_space<vmem>>[vector<16xi32>], vector<16xf32>,
      %add3A_153 = arith.constant 1 : i32
      %add3A_154 = vector.broadcast %add3A_153 : i32 to vector<16xi32>
      %add3A_155 = arith.addi %min3A_151, %add3A_154 : vector<16xi32>
      %gather3A_156 = tpu.vector_load_idx %arg8[%add3A_155] : memref<4096xf32, #tpu.memory_space<vmem>>[vector<16xi32>], vector<16xf32>,
      %sub3A_157 = arith.subf %gather3A_65, %gather3A_152 : vector<16xf32>
      %sub3A_158 = arith.subf %gather3A_156, %gather3A_152 : vector<16xf32>
      %div3A_159 = arith.divf %sub3A_157, %sub3A_158 : vector<16xf32>
      %jit3A_160 = arith.constant 0.000000e+00 : f32
      %jit3A_161 = arith.constant 1.000000e+00 : f32
      %max3A_162 = vector.broadcast %jit3A_160 : f32 to vector<16xf32>
      %max3A_163 = arith.maximumf %max3A_162, %div3A_159 : vector<16xf32>
      %min3A_164 = vector.broadcast %jit3A_161 : f32 to vector<16xf32>
      %min3A_165 = arith.minimumf %min3A_164, %max3A_163 : vector<16xf32>
      %sub3A_166 = arith.subi %sub3A_54, %shift_left3A_102 : vector<16xi32>
      %sub3A_167 = arith.subi %min3A_151, %min3A_117 : vector<16xi32>
      %dma_wait3A = tpu.memref_slice %arg2[%multiple_of3A, %multiple_of3A_133] : memref<1024x4096xf32, #tpu.memory_space<hbm>> -> memref<16x256xf32, #tpu.memory_space<hbm>>
      %dma_wait3A_168 = tpu.memref_slice %arg2[%multiple_of3A, %multiple_of3A_133] : memref<1024x4096xf32, #tpu.memory_space<hbm>> -> memref<16x256xf32, #tpu.memory_space<hbm>>
      tpu.wait_dma2 semaphore(%arg16 : memref<!tpu.dma_semaphore, #tpu.memory_space<semaphore_mem>>) src(%dma_wait3A_168 : memref<16x256xf32, #tpu.memory_space<hbm>>) dst(%arg12 : memref<16x256xf32, #tpu.memory_space<vmem>>)
      %gather3A_169 = tpu.vector_load_idx %arg12[%sub3A_166, %sub3A_167] : memref<16x256xf32, #tpu.memory_space<vmem>>[vector<16xi32>, vector<16xi32>], vector<16xf32>,
      %add3A_170 = arith.constant 1 : i32
      %add3A_171 = vector.broadcast %add3A_170 : i32 to vector<16xi32>
      %add3A_172 = arith.addi %sub3A_167, %add3A_171 : vector<16xi32>
      %gather3A_173 = tpu.vector_load_idx %arg12[%sub3A_166, %add3A_172] : memref<16x256xf32, #tpu.memory_space<vmem>>[vector<16xi32>, vector<16xi32>], vector<16xf32>,
      %add3A_174 = arith.constant 1 : i32
      %add3A_175 = vector.broadcast %add3A_174 : i32 to vector<16xi32>
      %add3A_176 = arith.addi %sub3A_166, %add3A_175 : vector<16xi32>
      %gather3A_177 = tpu.vector_load_idx %arg12[%add3A_176, %sub3A_167] : memref<16x256xf32, #tpu.memory_space<vmem>>[vector<16xi32>, vector<16xi32>], vector<16xf32>,
      %add3A_178 = arith.constant 1 : i32
      %add3A_179 = vector.broadcast %add3A_178 : i32 to vector<16xi32>
      %add3A_180 = arith.addi %sub3A_166, %add3A_179 : vector<16xi32>
      %add3A_181 = arith.constant 1 : i32
      %add3A_182 = vector.broadcast %add3A_181 : i32 to vector<16xi32>
      %add3A_183 = arith.addi %sub3A_167, %add3A_182 : vector<16xi32>
      %gather3A_184 = tpu.vector_load_idx %arg12[%add3A_180, %add3A_183] : memref<16x256xf32, #tpu.memory_space<vmem>>[vector<16xi32>, vector<16xi32>], vector<16xf32>,
      %sub3A_185 = arith.subf %gather3A_173, %gather3A_169 : vector<16xf32>
      %mul3A_186 = arith.mulf %min3A_165, %sub3A_185 : vector<16xf32>
      %add3A_187 = arith.addf %gather3A_169, %mul3A_186 : vector<16xf32>
      %sub3A_188 = arith.subf %gather3A_184, %gather3A_177 : vector<16xf32>
      %mul3A_189 = arith.mulf %min3A_165, %sub3A_188 : vector<16xf32>
      %add3A_190 = arith.addf %gather3A_177, %mul3A_189 : vector<16xf32>
      %sub3A_191 = arith.subf %add3A_190, %add3A_187 : vector<16xf32>
      %mul3A_192 = arith.mulf %min3A_64, %sub3A_191 : vector<16xf32>
      %add3A_193 = arith.addf %add3A_187, %mul3A_192 : vector<16xf32>
      %swap3A = arith.constant 0 : index
      %swap3A_194 = tpu.vector_load %arg13[%swap3A] {strides = array<i32>} : memref<16xf32, #tpu.memory_space<vmem>>, vector<16xf32>,
      tpu.vector_store %arg13[%swap3A], %add3A_193 {strides = array<i32>} : memref<16xf32, #tpu.memory_space<vmem>>, vector<16xf32>,
      "tpu.region"() ({
        %run_scoped3A = tpu.sem_alloc : memref<!tpu.dma_semaphore, #tpu.memory_space<semaphore_mem>>
        %dma_start3A_195 = arith.constant 0 : i32
        %dma_start3A_196 = tpu.memref_slice %arg13[%dma_start3A_195] : memref<16xf32, #tpu.memory_space<vmem>> -> memref<1xf32, #tpu.memory_space<vmem>>
        %dma_start3A_197 = arith.constant 0 : i32
        %dma_start3A_198 = tpu.memref_slice %arg13[%dma_start3A_197] : memref<16xf32, #tpu.memory_space<vmem>> -> memref<1xf32, #tpu.memory_space<vmem>>
        tpu.enqueue_dma source(%dma_start3A_198 : memref<1xf32, #tpu.memory_space<vmem>>) target(%arg7 : memref<1xf32, #tpu.memory_space<hbm>>) target_semaphore(%run_scoped3A : memref<!tpu.dma_semaphore, #tpu.memory_space<semaphore_mem>>)
        %dma_wait3A_199 = arith.constant 0 : i32
        %dma_wait3A_200 = tpu.memref_slice %arg13[%dma_wait3A_199] : memref<16xf32, #tpu.memory_space<vmem>> -> memref<1xf32, #tpu.memory_space<vmem>>
        %dma_wait3A_201 = arith.constant 0 : i32
        %dma_wait3A_202 = tpu.memref_slice %arg13[%dma_wait3A_201] : memref<16xf32, #tpu.memory_space<vmem>> -> memref<1xf32, #tpu.memory_space<vmem>>
        tpu.wait_dma2 semaphore(%run_scoped3A : memref<!tpu.dma_semaphore, #tpu.memory_space<semaphore_mem>>) src(%dma_wait3A_202 : memref<1xf32, #tpu.memory_space<vmem>>) dst(%arg7 : memref<1xf32, #tpu.memory_space<hbm>>)
        tpu.yield
      }) : () -> ()
    } else {
    }
    return
  }
}

</mosaic_0001>

<sc_bundles>
// kernel: kernel.3.cloned.1.call-start
scs
__scs_entry_jumppad:
0x0: {  	(pc) =	sbr.rel $0x88, $3  }
0x1: {  	(tag) =	ssettag $0x0;
	lr =	simm.s32 $0x1  }
0x2: {  	[smem:$0x3F9C] =	sst lr;
	_ =	strace $0xD0000000  }
0x3: {  	_ = 	snop  }
0x4: {  	_ = 	snop  }
0x5: {  	_ = 	snop  }
0x6: {  	_ = 	snop  }
0x7: {  	_ = 	snop  }
__scs_overlays_trampoline_lowered:
0x8: {  	[smem:$0x3FAB] =	sst s0  }
0x9: {  	[smem:$0x3FAC] =	sst s1  }
0xa: {  	[smem:$0x3FAD] =	sst s2  }
0xb: {  	[smem:$0x3FAE] =	sst s3  }
0xc: {  	[smem:$0x3FAF] =	sst s4  }
0xd: {  	[smem:$0x3FB0] =	sst s5  }
0xe: {  	[smem:$0x3FB1] =	sst s6  }
0xf: {  	[smem:$0x3FB2] =	sst s7  }
0x10: {  	[smem:$0x3FB3] =	sst s8  }
0x11: {  	[smem:$0x3FB4] =	sst s9;
	s0 =	simm.s32 @!p0 $0x0  }
0x12: {  	s1 =	sld [smem:$0x3F9A];
	s0 =	simm.s32 @p0 $0x1  }
0x13: {  	[smem:$0x3FB5] =	sst s0;
	s0 =	simm.s32 @!p1 $0x0  }
0x14: {  	s2 =	sld [smem:$0x3F99];
	s0 =	simm.s32 @p1 $0x1  }
0x15: {  	[smem:$0x3FB6] =	sst s0;
	s0 =	simm.s32 @!p2 $0x0  }
0x16: {  	s3 =	sld [smem:$0x3FDB];
	s0 =	simm.s32 @p2 $0x1  }
0x17: {  	s4 =	simm.s32 $0x1BF5;
	[smem:$0x3FB8] =	sst s0  }
0x18: {  	s0 =	sld [smem:$0x3F9B];
	_ =	swait.ge [sflag:s4], $0x0  }
0x19: {  	s7 =	sld [smem:$0x3F9C]  }
0x1a: {  	s8 =	sadd.s32 $0xFFFFE003, lr  }
0x1b: {  	s9 =	sadd.s32 $0xFFFFFEF7, lr;
	s5 =	simm.s32 $0xFFFFFFFF;
	p2 =	slt.u32 s8, $0xFFFFF086  }
0x1c: {  	p1 =	slt.u32 s9, $0xF7A;
	s5 =	simm.s32 @!p2 $0x0  }
0x1d: {  	s5 =	simm.s32 @p1 $0x1;
	p0 =	seq.s32 s7, s2  }
0x1e: {  	s7 =	smul.u32 @!p0 $0xF7A, s2;
	p2 =	seq.s32 @!p0 s5, $0x0  }
0x1f: {  	s9 =	smul.u32 $0xF7A, s1;
	s8 =	simm.s32 @!p0 $0x1BF5;
	p2 =	por !p2, p0  }
0x20: {  	[sflag:s8] =	ssyncset.s32 @!p0 $0xFFFFF086;
	s6 =	sadd.s32 @!p0 s3, s7;
	s7 =	simm.s32 @!p0 $0x108  }
0x21: {  	s3 =	sadd.s32 s3, s9;
	s6 =	sadd.s32 @!p0 $0x88, s6;
	s7 =	simm.s32 @p2 $0x1082  }
0x22: {  	[simem:s7], [sflag:s8] =	dma.local @!p0 [hbm:s6], $0xF7A  }
0x23: {  	s9 =	sor.u32 $0xD0000000, s2;
	s6 =	simm.s32 $0x108;
	_ =	swait.ge @!p0 [sflag:s8], $0x0  }
0x24: {  	s3 =	sadd.s32 $0x88, s3;
	s6 =	simm.s32 @!p1 $0x1082;
	[sflag:s4] =	ssyncset.s32 $0xFFFFF086  }
0x25: {  	[simem:s6], [sflag:s4] =	dma.local [hbm:s3], $0xF7A  }
0x26: {  	[smem:$0x3F9C] =	sst s1;
	(tag) =	ssettag s2;
	_ =	strace s9  }
0x27: {  	s1 =	sld [smem:$0x3FAC]  }
0x28: {  	s2 =	sld [smem:$0x3FAD]  }
0x29: {  	s4 =	sld [smem:$0x3FAF]  }
0x2a: {  	p0 =	seq.s32 s5, $0x0;
	s5 =	sld [smem:$0x3FB0]  }
0x2b: {  	s6 =	sld [smem:$0x3FB1]  }
0x2c: {  	s7 =	sld [smem:$0x3FB2]  }
0x2d: {  	s3 =	simm.s32 $0x108;
	s8 =	sld [smem:$0x3FB3]  }
0x2e: {  	s3 =	simm.s32 @!p0 $0x1082;
	s9 =	sld [smem:$0x3FB4]  }
0x2f: {  	lr =	sadd.s32 s0, s3;
	s0 =	sld [smem:$0x3FAB]  }
0x30: {  	s3 =	sld [smem:$0x3FAE]  }
0x31: {  	[smem:$0x3FB7] =	sst s10  }
0x32: {  	s10 =	sld [smem:$0x3FB5];
	_ =	sdelay $0x3  }
0x33: {  	p0 =	seq.s32 s10, $0x1;
	s10 =	sld [smem:$0x3FB7];
	_ =	sdelay $0x3  }
0x34: {  	[smem:$0x3FB7] =	sst s10  }
0x35: {  	s10 =	sld [smem:$0x3FB6];
	_ =	sdelay $0x3  }
0x36: {  	p1 =	seq.s32 s10, $0x1;
	s10 =	sld [smem:$0x3FB7];
	_ =	sdelay $0x3  }
0x37: {  	[smem:$0x3FB7] =	sst s10  }
0x38: {  	s10 =	sld [smem:$0x3FB8]  }
0x39: {  	_ = 	snop;
	(pc) =	sbr.ind lr, $3  }
0x3a: {  	_ = 	snop  }
0x3b: {  	_ = 	snop  }
0x3c: {  	p2 =	seq.s32 s10, $0x1;
	s10 =	sld [smem:$0x3FB7]  }
0x3d: {  	_ =	shalt  }
0x3e: {  	_ =	shalt  }
0x3f: {  	_ =	shalt  }
0x40: {  	_ =	shalt  }
0x41: {  	_ =	shalt  }
0x42: {  	_ =	shalt  }
0x43: {  	_ =	shalt  }
0x44: {  	_ =	shalt  }
0x45: {  	_ =	shalt  }
0x46: {  	_ =	shalt  }
0x47: {  	_ =	shalt  }
0x48: {  	_ =	shalt  }
0x49: {  	_ =	shalt  }
0x4a: {  	_ =	shalt  }
0x4b: {  	_ =	shalt  }
0x4c: {  	_ =	shalt  }
0x4d: {  	_ =	shalt  }
0x4e: {  	_ =	shalt  }
0x4f: {  	_ =	shalt  }
0x50: {  	_ =	shalt  }
0x51: {  	_ =	shalt  }
0x52: {  	_ =	shalt  }
0x53: {  	_ =	shalt  }
0x54: {  	_ =	shalt  }
0x55: {  	_ =	shalt  }
0x56: {  	_ =	shalt  }
0x57: {  	_ =	shalt  }
0x58: {  	_ =	shalt  }
0x59: {  	_ =	shalt  }
0x5a: {  	_ =	shalt  }
0x5b: {  	_ =	shalt  }
0x5c: {  	_ =	shalt  }
0x5d: {  	_ =	shalt  }
0x5e: {  	_ =	shalt  }
0x5f: {  	_ =	shalt  }
0x60: {  	_ =	shalt  }
0x61: {  	_ =	shalt  }
0x62: {  	_ =	shalt  }
0x63: {  	_ =	shalt  }
0x64: {  	_ =	shalt  }
0x65: {  	_ =	shalt  }
0x66: {  	_ =	shalt  }
0x67: {  	_ =	shalt  }
0x68: {  	_ =	shalt  }
0x69: {  	_ =	shalt  }
0x6a: {  	_ =	shalt  }
0x6b: {  	_ =	shalt  }
0x6c: {  	_ =	shalt  }
0x6d: {  	_ =	shalt  }
0x6e: {  	_ =	shalt  }
0x6f: {  	_ =	shalt  }
0x70: {  	_ =	shalt  }
0x71: {  	_ =	shalt  }
0x72: {  	_ =	shalt  }
0x73: {  	_ =	shalt  }
0x74: {  	_ =	shalt  }
0x75: {  	_ =	shalt  }
0x76: {  	_ =	shalt  }
0x77: {  	_ =	shalt  }
0x78: {  	_ =	shalt  }
0x79: {  	_ =	shalt  }
0x7a: {  	_ =	shalt  }
0x7b: {  	_ =	shalt  }
0x7c: {  	_ =	shalt  }
0x7d: {  	_ =	shalt  }
0x7e: {  	_ =	shalt  }
0x7f: {  	_ =	shalt  }
0x80: {  	_ =	shalt  }
0x81: {  	_ =	shalt  }
0x82: {  	_ =	shalt  }
0x83: {  	_ =	shalt  }
0x84: {  	_ =	shalt  }
0x85: {  	_ =	shalt  }
0x86: {  	_ =	shalt  }
0x87: {  	_ =	shalt  }
.Lfunc_end0:
.L_simem_size_0:
called_computation_lowered:
.L_overlay_start_0:
0x88: {  	s0 =	sld [smem:$0x3FD9]  }
0x89: {  	s1 =	sld [smem:$0x3FFE];
	_ =	sdelay $0x3  }
0x8a: {  	s0 =	sadd.s32 s1, s0  }
0x8b: {  	[smem:$0x3FC3] =	sst s0  }
0x8c: {  	_ = 	snop  }
0x8d: {  	s0 =	sld [smem:$0x3FC9]  }
0x8e: {  	s17 =	sld [smem:$0x3FC8]  }
0x8f: {  	s2 =	sld [smem:$0x3FC7]  }
0x90: {  	s3 =	sld [smem:$0x3FC6]  }
0x91: {  	s4 =	sld [smem:$0x3FC5]  }
0x92: {  	s5 =	sld [smem:$0x3FD0];
	(tm) =	ssettm $0x1  }
0x93: {  	s6 =	sld [smem:$0x3FFB];
	_ =	sdelay $0x3  }
0x94: {  	_ =	strace s6  }
0x95: {  	s6 =	sld [smem:$0x3FFC];
	_ =	sdelay $0x3  }
0x96: {  	_ =	strace s6  }
0x97: {  	s6 =	sld [smem:$0x3FFD];
	_ =	sdelay $0x3  }
0x98: {  	_ =	strace s6  }
0x99: {  	_ =	strace $0x8FFFFFFF  }
0x9a: {  	s18 =	sld [smem:$0x3FDB];
	_ =	sdelay $0x1  }
0x9b: {  	s7 =	simm.s32 $_scs_section_size  }
0x9c: {  	s8 =	simm.s32 $_size__tile_overlayer_lowered;
	s9 =	simm.s32 $_tile_overlayer_lowered  }
0x9d: {  	s21 =	simm.s32 $0x1BFF;
	s20 =	sshll.u32 s9, $0x1;
	s6 =	sadd.s32 s7, s18  }
0x9e: {  	s10 =	simm.s32 $0x0;
	s19 =	sshll.u32 s8, $0x1;
	s8 =	sadd.s32 s20, s6  }
0x9f: {  	[timem:s10], [sflag:s21] =	dma.local [hbm:s8], s19  }
0xa0: {  	_ =	swait.ge [sflag:s21], s19  }
0xa1: {  	s7 =	ssub.s32 $0x0, s19;
	[sflag:s21] =	ssyncset.done $0x0  }
0xa2: {  	[sflag:s21] =	ssyncadd.s32 s7;
	_ =	sdelay $0x1  }
0xa3: {  	s22 =	simm.s32 $0x1B8B  }
0xa4: {  	_ =	swait.ge [sflag:s22], $0x1  }
0xa5: {  	[sflag:s22] =	ssyncset.done $0x0  }
0xa6: {  	s23 =	simm.s32 $0x1B8E;
	[sflag:s22] =	ssyncadd.s32 $0xFFFFFFFF  }
0xa7: {  	s24 =	simm.s32 $execute0_lowered;
	[smem:$0x3FD2] =	sst s23  }
0xa8: {  	s7 =	sshll.u32 s24, $0x1;
	_ =	strace $0x80000046;
	[dreg:$0x1] =	wrdreg $0xFFFFFFFF  }
0xa9: {  	s25 =	simm.s32 $_size_execute0_lowered;
	s6 =	sadd.s32 s6, s7;
	[dreg:$0x0] =	wrdreg $0x0  }
0xaa: {  	s7 =	sshll.u32 s25, $0x1;
	[dreg:$0x2] =	wrdreg s6  }
0xab: {  	[dreg:$0x3] =	wrdreg s7  }
0xac: {  	[dreg:$0x4] =	wrdreg $0xC0  }
0xad: {  	_ =	task [dreg:s10], $0x5FFFF  }
0xae: {  	[dreg:$0x1] =	wrdreg $0xFFFFFFFF  }
0xaf: {  	[dreg:$0x0] =	wrdreg $0x60  }
0xb0: {  	[dreg:$0x2] =	wrdreg s0  }
0xb1: {  	[dreg:$0x3] =	wrdreg s17  }
0xb2: {  	[dreg:$0x4] =	wrdreg s2  }
0xb3: {  	[dreg:$0x5] =	wrdreg s3  }
0xb4: {  	[dreg:$0x6] =	wrdreg s4  }
0xb5: {  	[dreg:$0x7] =	wrdreg s5  }
0xb6: {  	[dreg:$0x8] =	wrdreg $0x9  }
0xb7: {  	_ =	task.clear_ibuf [dreg:s10], $0x9FFFF;
	_ =	strace $0x90000046  }
0xb8: {  	s26 =	simm.s32 $0x9;
	_ =	strace $0x80000048  }
0xb9: {  	_ =	swait.ge [sflag:s26], $0x1  }
0xba: {  	[sflag:s26] =	ssyncadd.s32 $0xFFFFFFFF  }
0xbb: {  	_ =	strace $0x90000048  }
0xbc: {  	_ =	sfence  }
0xbd: {  	s28 =	sld [smem:$0x0];
	_ =	sdelay $0x1  }
0xbe: {  	s29 =	srdreg.scid  }
0xbf: {  	s30 =	sshll.u32 s29, $0xD;
	s31 =	sshrl.u32 s29, $0x2  }
0xc0: {  	s1 =	sand.u32 $0x1, s29;
	s2 =	sand.u32 $0x4000, s30;
	s0 =	sadd.s32 s31, s28  }
0xc1: {  	s1 =	sor.u32 s2, s1;
	s0 =	sshll.u32 s0, $0x11  }
0xc2: {  	s0 =	sor.u32 s0, s1  }
0xc3: {  	s0 =	sadd.s32 $0x8F2B, s0  }
0xc4: {  	[sflag:s0] =	ssyncadd.remote.s32 $0x1  }
0xc5: {  	_ =	sfence.sel $0xFFFF  }
0xc6: {  	[dreg:$0x0] =	wrdreg $0xFFFFFFFF;
	(pc) =	sbr.abs _section_cstart, $3  }
0xc7: {  	[dreg:$0x1] =	wrdreg $0xFFFFFFFF  }
0xc8: {  	_ =	task.clear_ibuf [dreg:s10], $0x2FFFF;
	_ =	strace $0x9FFFFFFF  }
0xc9: {  	(tm) =	ssettm $0x7FFFFFFF  }
tec
execute0_lowered:
.L_overlay_start_1:
0x0: {  	(tag) =	ssettag $0x1  }
0x1: {  	s3 =	rddreg [dreg:$0x0]  }
0x2: {  	s4 =	rddreg [dreg:$0x1];
	s8 =	stileid.u32  }
0x3: {  	s6 =	rddreg [dreg:$0x2];
	p0 =	sne.s32 s8, $0x0  }
.Ltmp0:
0x4: {  	s5 =	rddreg [dreg:$0x3];
	(pc) =	sbr.rel @p0 .LBB2_2-.Ltmp0, $4  }
0x5: {  	s7 =	rddreg [dreg:$0x4]  }
0x6: {  	s1 =	rddreg [dreg:$0x5];
	s2 =	simm.s32 $0x0  }
0x7: {  	[smem:$0x7FF] =	sst s2  }
0x8: {  	s0 =	rddreg [dreg:$0x6];
	_ =	strace $0x80000047  }
0x9: {  	s8 =	simm.s32 $0x1000  }
0xa: {  	[tilespmem:s8], [sflag:$0x1] =	stream.linear.gather [hbm4b:s6+s2], $0x400, $0x38;
	[tilespmem:$0x2580] =	vst v63  }
0xb: {  	s19 =	simm.s32 $0x1480  }
0xc: {  	[tilespmem:s19], [sflag:$0x1] =	stream.linear.gather [hbm4b:s7+s2], $0x80, $0x38;
	[tilespmem:$0x2580] =	vst v63  }
0xd: {  	_ = 	snop  }
0xe: {  	[tilespmem:s2], [sflag:$0x2] =	stream.linear.gather [hbm4b:s4+s2], $0x1000, $0x38;
	[tilespmem:$0x2580] =	vst v63  }
0xf: {  	s20 =	simm.s32 $0x1400;
	s21 =	simm.s32 $0x1  }
0x10: {  	[tilespmem:s20], [sflag:$0x2] =	stream.linear.gather [hbm4b:s5+s2], $0x80, $0x38;
	[tilespmem:$0x2580] =	vst v63  }
0x11: {  	v1 =	vlaneseq.u32;
	_ =	swait.ge [sflag:s21], $0x400  }
0x12: {  	v2 =	vmul.u32 $0x40, v1;
	[sflag:s21] =	ssyncset.done $0x0  }
0x13: {  	[sflag:s21] =	ssyncadd.s32 $0xFFFFFC00  }
0x14: {  	_ =	swait.ge [sflag:s21], $0x80  }
0x15: {  	[sflag:s21] =	ssyncset.done $0x0  }
0x16: {  	[sflag:s21] =	ssyncadd.s32 $0xFFFFFF80  }
0x17: {  	v0 =	vld.msk [tilespmem:s19+$0x0], $0xffff  }
0x18: {  	v2 =	vld.idx.msk [tilespmem:v2+s8+$0x0], $0xffff;
	_ =	sdelay $0x4  }
0x19: {  	vm0 =	vle.f32 v2, v0  }
0x1a: {  	v2 =	vmpcnt.ones.xlane vm0;
	_ =	sdelay $0x1  }
0x1b: {  	v2 =	vadd.s32 $0xFFFFFFFF, v2  }
0x1c: {  	vm15 =	vgt.s32 v2, $0x0  }
0x1d: {  	v3 =	vmul.u32 $0x4, v1;
	v2 =	vnsel vm15, $0x0, v2  }
0x1e: {  	v2 =	vshll.u32 v2, $0x6  }
0x1f: {  	v3 =	vor.u32 v3, v2;
	_ =	sdelay $0x4  }
0x20: {  	v3 =	vld.idx.msk [tilespmem:v3+s8+$0x0], $0xffff;
	_ =	sdelay $0x4  }
0x21: {  	vm4 =	vle.f32 v3, v0  }
0x22: {  	v3 =	vmpcnt.ones.xlane vm4;
	_ =	sdelay $0x1  }
0x23: {  	v3 =	vadd.s32 $0xFFFFFFFF, v3  }
0x24: {  	vm5 =	vgt.s32 v3, $0x0  }
0x25: {  	v3 =	vnsel vm5, $0x0, v3  }
0x26: {  	v3 =	vshll.u32 v3, $0x2  }
0x27: {  	v2 =	vadd.s32 v2, v3  }
0x28: {  	v3 =	vadd.s32 v1, v2  }
0x29: {  	vm6 =	vlt.s32 v3, $0x3FF  }
0x2a: {  	v4 =	vnsel vm6, $0x3FF, v3;
	_ =	sdelay $0x4  }
0x2b: {  	v4 =	vld.idx.msk [tilespmem:v4+s8+$0x0], $0xffff;
	_ =	sdelay $0x4  }
0x2c: {  	vm1 =	vlt.s32 v3, $0x400;
	vm7 =	vle.f32 v4, v0  }
0x2d: {  	vm0 =	vmand vm7, vm1  }
0x2e: {  	v46 =	vmpcnt.ones.xlane vm0;
	_ =	sdelay $0x1  }
0x2f: {  	v2 =	vadd.s32 v46, v2  }
0x30: {  	vm8 =	vgt.s32 v2, $0x1  }
0x31: {  	v2 =	vnsel vm8, $0x1, v2  }
0x32: {  	v2 =	vmin.u32 v2, $0x3FF  }
0x33: {  	v47 =	vadd.s32 $0xFFFFFFFF, v2;
	_ =	sdelay $0x3  }
0x34: {  	s22 =	simm.s32 $0x2;
	v2 =	vld.idx.msk [tilespmem:v2+s8+$0x0], $0xffff  }
0x35: {  	v48 =	vld.idx.msk [tilespmem:v47+s8+$0x0], $0xffff;
	_ =	swait.ge [sflag:s22], $0x1000  }
0x36: {  	v5 =	vmul.u32 $0x100, v1;
	[sflag:s22] =	ssyncset.done $0x0  }
0x37: {  	[sflag:s22] =	ssyncadd.s32 $0xFFFFF000  }
0x38: {  	_ =	swait.ge [sflag:s22], $0x80  }
0x39: {  	[sflag:s22] =	ssyncset.done $0x0  }
0x3a: {  	[sflag:s22] =	ssyncadd.s32 $0xFFFFFF80  }
0x3b: {  	v6 =	vld.msk [tilespmem:s20+$0x0], $0xffff  }
0x3c: {  	v5 =	vld.idx.msk [tilespmem:v5+s2+$0x0], $0xffff;
	_ =	sdelay $0x4  }
0x3d: {  	vm9 =	vle.f32 v5, v6  }
0x3e: {  	v5 =	vmpcnt.ones.xlane vm9;
	_ =	sdelay $0x1  }
0x3f: {  	v5 =	vadd.s32 $0xFFFFFFFF, v5  }
0x40: {  	vm10 =	vgt.s32 v5, $0x0  }
0x41: {  	v7 =	vmul.u32 $0x10, v1;
	v5 =	vnsel vm10, $0x0, v5  }
0x42: {  	v5 =	vshll.u32 v5, $0x8  }
0x43: {  	v7 =	vor.u32 v7, v5;
	_ =	sdelay $0x4  }
0x44: {  	v7 =	vld.idx.msk [tilespmem:v7+s2+$0x0], $0xffff;
	_ =	sdelay $0x4  }
0x45: {  	vm11 =	vle.f32 v7, v6  }
0x46: {  	v7 =	vmpcnt.ones.xlane vm11;
	_ =	sdelay $0x1  }
0x47: {  	v7 =	vadd.s32 $0xFFFFFFFF, v7  }
0x48: {  	vm12 =	vgt.s32 v7, $0x0  }
0x49: {  	v7 =	vnsel vm12, $0x0, v7  }
0x4a: {  	v7 =	vshll.u32 v7, $0x4  }
0x4b: {  	v5 =	vadd.s32 v5, v7  }
0x4c: {  	v8 =	vadd.s32 $0xFFFFFFFF, v5  }
0x4d: {  	vm13 =	vgt.s32 v8, $0x0  }
0x4e: {  	v9 =	vnsel vm13, $0x0, v8  }
0x4f: {  	v10 =	vand.u32 $0xFFFFFFF8, v47;
	v9 =	vand.u32 $0x7FFFFF80, v9  }
0x50: {  	v10 =	vxor.u32 $0x80000000, v10;
	v9 =	vmin.u32 v9, $0xF00  }
0x51: {  	(xrf0) =	vmax.scan.msk.u32 $0xffff, v10;
	v49 =	vor.u32 $0x80000000, v9  }
0x52: {  	(xrf0) =	vmax.scan.msk.u32 $0xffff, v49;
	_ =	sdelay $0x4  }
0x53: {  	v50, _, _ =	vpop (xrf0)  }
0x54: {  	(v2sf) =	vpush v50, $0xF;
	v51, _, _ =	vpop (xrf0)  }
0x55: {  	(v2sf) =	vpush v51, $0xF;
	_ =	sdelay $0xd  }
0x56: {  	s23 =	spop (v2sf)  }
0x57: {  	v1 =	vor.u32 v1, v7;
	s24 =	spop (v2sf)  }
0x58: {  	s4 =	sshll.u32 s23, $0xC;
	v5 =	vand.u32 $0xFFFFFF80, v5;
	v1 =	vand.u32 $0x7F, v1;
	s5 =	sshll.u32 s24, $0x3  }
0x59: {  	s4 =	sand.u32 $0xFFFF8000, s4;
	v1 =	vor.u32 v1, v5;
	s5 =	sand.u32 $0xFFFFFC00, s5  }
0x5a: {  	s4 =	sadd.s32 s4, s5  }
0x5b: {  	s25 =	simm.s32 $0x800;
	s4 =	sshrl.u32 s4, $0x3  }
0x5c: {  	s26 =	simm.s32 $0x8000;
	s28 =	simm.s32 $0x1500;
	s3 =	sadd.s32 s3, s4  }
0x5d: {  	[tilespmem:s28], [sflag:$0x3] =	stream.strided.gather [hbm4b:s3+s25], $0x1000, s26, s25, $0x38;
	[tilespmem:$0x2580] =	vst v63  }
0x5e: {  	v1 =	vld.idx.msk [tilespmem:v1+s2+$0x0], $0xffff;
	_ =	sdelay $0x4  }
0x5f: {  	vm14 =	vle.f32 v1, v6  }
0x60: {  	v1 =	vmpcnt.ones.xlane vm14;
	_ =	sdelay $0x1  }
0x61: {  	v1 =	vadd.s32 v1, v8  }
0x62: {  	vm15 =	vgt.s32 v1, $0x0  }
0x63: {  	v1 =	vnsel vm15, $0x0, v1  }
0x64: {  	v1 =	vmin.u32 v1, $0xFFE  }
0x65: {  	v52 =	vadd.s32 $0x1, v1;
	_ =	sdelay $0x3  }
0x66: {  	v53 =	vld.idx.msk [tilespmem:v1+s2+$0x0], $0xffff  }
0x67: {  	v5 =	vld.idx.msk [tilespmem:v52+s2+$0x0], $0xffff;
	_ =	sdelay $0x3  }
0x68: {  	v2 =	vsub.f32 v2, v48  }
0x69: {  	v5 =	vsub.f32 v5, v53  }
0x6a: {  	(erf) = vrcp.f32 v2  }
0x6b: {  	(erf) = vrcp.f32 v5  }
0x6c: {  	v54 =	vand.u32 $0x7, v47  }
0x6d: {  	v2 =	vadd.s32 $0x1, v54  }
0x6e: {  	v57 =	vshll.u32 v54, $0x7;
	v11 =	vshll.u32 v2, $0x8  }
0x6f: {  	v2 =	vshll.u32 v2, $0x7;
	v11 =	vand.u32 $0x800, v11;
	v55 =	vsub.s32 v1, v9  }
0x70: {  	v2 =	vand.u32 $0x380, v2;
	v56 =	vshll.u32 v55, $0x3;
	v3 =	vadd.s32 $0x1, v55  }
0x71: {  	v59 =	vand.u32 $0x7F, v3;
	v3 =	vshll.u32 v3, $0x3;
	v1 =	vand.u32 $0x7F, v1  }
0x72: {  	v3 =	vand.u32 $0xFFFFFC00, v3;
	v58 =	vor.u32 v57, v1;
	v5 =	vand.u32 $0xFFFFFC00, v56  }
0x73: {  	v12 =	vpop (erf);
	v8 =	vor.u32 v57, v59;
	v9 =	vor.u32 v5, v58;
	v5 =	vadd.s32 v11, v5  }
0x74: {  	s29 =	simm.s32 $0x3;
	v8 =	vor.u32 v3, v8;
	v3 =	vadd.s32 v11, v3;
	v5 =	vor.u32 v2, v5;
	v60 =	vpop (erf)  }
0x75: {  	v2 =	vor.u32 v2, v3;
	v1 =	vor.u32 v1, v5;
	_ =	swait.ge [sflag:s29], $0x1000  }
0x76: {  	v2 =	vor.u32 v59, v2;
	[sflag:s29] =	ssyncset.done $0x0  }
0x77: {  	[sflag:s29] =	ssyncadd.s32 $0xFFFFF000  }
0x78: {  	v61 =	vld.idx.msk [tilespmem:v9+s28+$0x0], $0xffff  }
0x79: {  	v62 =	vld.idx.msk [tilespmem:v8+s28+$0x0], $0xffff  }
0x7a: {  	v1 =	vld.idx.msk [tilespmem:v1+s28+$0x0], $0xffff  }
0x7b: {  	v2 =	vld.idx.msk [tilespmem:v2+s28+$0x0], $0xffff  }
0x7c: {  	v6 =	vsub.f32 v6, v53;
	_ =	sdelay $0x1  }
0x7d: {  	v6 =	vmul.f32 v60, v6;
	_ =	sdelay $0x1  }
0x7e: {  	v6 =	vmax.f32 v6, $0.0e+00;
	v5 =	vsub.f32 v62, v61;
	v2 =	vsub.f32 v2, v1  }
0x7f: {  	v6 =	vmin.f32 v6, $1.000000000e+00  }
0x80: {  	v0 =	vsub.f32 v0, v48;
	v63 =	vmul.f32 v5, v6;
	v2 =	vmul.f32 v2, v6;
	_ =	sdelay $0x1  }
0x81: {  	v0 =	vmul.f32 v12, v0;
	v3 =	vadd.f32 v63, v61;
	v1 =	vadd.f32 v2, v1;
	_ =	sdelay $0x1  }
0x82: {  	v0 =	vmax.f32 v0, $0.0e+00;
	v1 =	vsub.f32 v1, v3  }
0x83: {  	v0 =	vmin.f32 v0, $1.000000000e+00  }
0x84: {  	v0 =	vmul.f32 v1, v0;
	_ =	sdelay $0x1  }
0x85: {  	v0 =	vadd.f32 v0, v3;
	_ =	sdelay $0x1  }
0x86: {  	s30 =	simm.s32 $0x2500;
	s31 =	simm.s32 $0x4;
	[tilespmem:$0x2500] =	vst v0  }
0x87: {  	[hbm4b:s1+s2] =	stream.linear.scatter [tilespmem:s30], [sflag:$0x4], $0x1, $0x38;
	[tilespmem:$0x2580] =	vst v63  }
0x88: {  	_ =	swait.ge [sflag:s31], $0x1  }
0x89: {  	[sflag:s31] =	ssyncset.done $0x0  }
0x8a: {  	[sflag:s31] =	ssyncadd.s32 $0xFFFFFFFF  }
.LBB2_2:
0x8b: {  	_ =	sfence.sel $0x180000  }
0x8c: {  	[bflag:$0x0] =	sbarrier.arrive $0xFFFF  }
0x8d: {  	_ =	strace $0x90000047  }
0x8e: {  	s0 =	sadd.s32 @!p0 $0x100000, s0;
	[bflag:$0x2] =	sbarrier.arrive $0xFFFF  }
0x8f: {  	[sflag:s0] =	ssyncadd.tile.s32 @!p0 $0x1;
	_ =	shalt  }
.Lfunc_end2:
_tile_overlayer_lowered:
.L_overlay_start_2:
0x90: {  	(tag) =	ssettag $0x2  }
0x91: {  	s0 =	rddreg [dreg:$0x0];
	s2 =	stileid.u32  }
0x92: {  	s1 =	rddreg [dreg:$0x1];
	p0 =	sne.s32 s2, $0x0  }
0x93: {  	s3 =	rddreg [dreg:$0x2];
	[bflag:$0x3] =	sbarrier.arrive $0xFFFF;
	s2 =	simm.s32 @!p0 $0x1C04  }
0x94: {  	[timem:s3], [sflag:s2] =	dma.local @!p0 [hbm:s0], s1  }
0x95: {  	s0 =	simm.s32 @!p0 $0x4  }
0x96: {  	_ =	swait.ge @!p0 [sflag:s0], s1  }
0x97: {  	s1 =	ssub.s32 @!p0 $0x0, s1;
	[sflag:s0] =	ssyncset.done @!p0 $0x0  }
0x98: {  	[sflag:s0] =	ssyncadd.s32 @!p0 s1  }
0x99: {  	[bflag:$0x3] =	sbarrier.arrive $0xFFFF  }
0x9a: {  	_ =	shalt  }

</sc_bundles>
